<compile_context>
chip_gen: v7x
topology: tpu7x:2x2x1
jax: 0.10.2.dev20260603
libtpu: 0.0.44.dev20260713+nightly
codegen_flags: <defaults>
</compile_context>

<pallas_src>
import jax
import jax.numpy as jnp
from jax.experimental import pallas as pl
from jax.experimental.pallas import tpu as pltpu

_NPOINT = 1024
_RADIUS = 0.2
_NSAMPLE = 32


def _fps_body(x_ref, y_ref, z_ref, idx_ref, cx_ref, cy_ref, cz_ref,
              dist_ref):
    B, N = x_ref.shape
    colid = jax.lax.broadcasted_iota(jnp.int32, (B, N), 1)
    x = x_ref[:]
    y = y_ref[:]
    z = z_ref[:]
    dist_ref[:] = jnp.full((B, N), 1e10, jnp.float32)

    def body(t, far):
        onehot = colid == far
        cx = jnp.sum(jnp.where(onehot, x, 0.0), axis=1, keepdims=True)
        cy = jnp.sum(jnp.where(onehot, y, 0.0), axis=1, keepdims=True)
        cz = jnp.sum(jnp.where(onehot, z, 0.0), axis=1, keepdims=True)
        dx = x - cx
        dy = y - cy
        dz = z - cz
        d = (dx * dx + dz * dz) + dy * dy
        dist = jnp.minimum(dist_ref[:], d)
        dist_ref[:] = dist
        m = jnp.max(dist, axis=1, keepdims=True)
        nxt = jnp.min(jnp.where(dist == m, colid, N), axis=1)
        idx_ref[pl.ds(t, 1), :] = far[:, 0].reshape(1, B)
        cx_ref[pl.ds(t, 1), :] = cx[:, 0].reshape(1, B)
        cy_ref[pl.ds(t, 1), :] = cy[:, 0].reshape(1, B)
        cz_ref[pl.ds(t, 1), :] = cz[:, 0].reshape(1, B)
        return nxt[:, None].astype(jnp.int32)

    jax.lax.fori_loop(0, _NPOINT, body, jnp.zeros((B, 1), jnp.int32))


def _fps_pallas(xyz):
    B, N, _ = xyz.shape
    x = xyz[:, :, 0]
    y = xyz[:, :, 1]
    z = xyz[:, :, 2]
    out_shape = (
        jax.ShapeDtypeStruct((_NPOINT, B), jnp.int32),
        jax.ShapeDtypeStruct((_NPOINT, B), jnp.float32),
        jax.ShapeDtypeStruct((_NPOINT, B), jnp.float32),
        jax.ShapeDtypeStruct((_NPOINT, B), jnp.float32),
    )
    idx_t, cx_t, cy_t, cz_t = pl.pallas_call(
        _fps_body,
        out_shape=out_shape,
        scratch_shapes=[pltpu.VMEM((B, N), jnp.float32)],
    )(x, y, z)
    fps_idx = idx_t.T
    new_xyz = jnp.stack([cx_t.T, cy_t.T, cz_t.T], axis=-1)
    return fps_idx, new_xyz


def kernel(xyz, points):
    B, N, _ = xyz.shape
    fps_idx, new_xyz = _fps_pallas(xyz)

    a = new_xyz
    b = xyz
    a2 = jnp.sum(a * a, axis=-1)[:, :, None]
    b2 = jnp.sum(b * b, axis=-1)[:, None, :]
    bf = lambda v: jax.lax.optimization_barrier(
        v.astype(jnp.bfloat16)).astype(jnp.float32)
    ab = bf(a[:, :, None, 0]) * bf(b[:, None, :, 0]) + (
        bf(a[:, :, None, 1]) * bf(b[:, None, :, 1])
        + bf(a[:, :, None, 2]) * bf(b[:, None, :, 2])
    )
    sqd = a2 + b2 - 2.0 * ab
    mask = sqd < (_RADIUS * _RADIUS)
    ar = jnp.broadcast_to(jnp.arange(N, dtype=jnp.int32), mask.shape)
    cand = jnp.where(mask, ar, N)
    neg_top, _ = jax.lax.top_k(-cand, _NSAMPLE)
    cand = -neg_top
    first = cand[:, :, :1]
    idx = jnp.where(cand == N, first, cand)
    grouped_xyz = jax.vmap(lambda p, i: p[i])(xyz, idx)
    grouped_xyz = grouped_xyz - new_xyz[:, :, None, :]
    grouped_points = jax.vmap(lambda p, i: p[i])(points, idx)
    new_points = jnp.concatenate([grouped_xyz, grouped_points], axis=-1)
    return new_xyz, new_points

# --- scband reference (transcript-rebuilt; emitter-appended) ---
"""Pipeline reference for scband-sample-and-group-37744172597321 (READ-ONLY COPY).

The authoritative reference and input builder live on the scoring server;
editing this copy changes nothing except your own understanding.
"""

import jax, jax.numpy as jnp
import numpy as np

NPOINT = 1024
RADIUS = 0.2
NSAMPLE = 32


def farthest_point_sample(npoint, xyz):
    # xyz: (B, N, 3) -> (B, npoint) int32 indices
    B, N, _ = xyz.shape

    def body(carry, _):
        dist, farthest = carry  # (B, N), (B,)
        centroid = jnp.take_along_axis(xyz, farthest[:, None, None], axis=1)  # (B,1,3)
        d = jnp.sum((xyz - centroid) ** 2, axis=-1)  # (B, N)
        dist = jnp.minimum(dist, d)
        nxt = jnp.argmax(dist, axis=-1).astype(jnp.int32)
        return (dist, nxt), farthest

    dist0 = jnp.full((B, N), 1e10, dtype=xyz.dtype)
    far0 = jnp.zeros((B,), dtype=jnp.int32)
    (_, _), idxs = jax.lax.scan(body, (dist0, far0), None, length=npoint)
    return jnp.transpose(idxs, (1, 0))  # (B, npoint)


def gather_point(pts, idx):
    # pts: (B, N, C), idx: (B, S) -> (B, S, C)
    return jnp.take_along_axis(pts, idx[..., None].astype(jnp.int32), axis=1)


def pairwise_sqdist(a, b):
    # a: (B, S, 3), b: (B, N, 3) -> (B, S, N)
    a2 = jnp.sum(a * a, axis=-1)[:, :, None]
    b2 = jnp.sum(b * b, axis=-1)[:, None, :]
    ab = jnp.einsum('bsd,bnd->bsn', a, b)
    return a2 + b2 - 2.0 * ab


def query_ball_point(radius, nsample, xyz, new_xyz):
    # Faithful to the CUDA op: take the first nsample point indices whose
    # squared distance to the query is < radius^2; pad by repeating the first hit.
    B, S, _ = new_xyz.shape
    N = xyz.shape[1]
    sqd = pairwise_sqdist(new_xyz, xyz)  # (B, S, N)
    mask = sqd < (radius * radius)
    ar = jnp.broadcast_to(jnp.arange(N, dtype=jnp.int32), (B, S, N))
    cand = jnp.where(mask, ar, N)
    cand = jnp.sort(cand, axis=-1)[:, :, :nsample]  # first nsample in-ball indices
    first = cand[:, :, :1]
    idx = jnp.where(cand == N, first, cand)  # pad with first found index
    pts_cnt = jnp.minimum(jnp.sum(mask, axis=-1), nsample).astype(jnp.int32)
    return idx, pts_cnt


def group_point(pts, idx):
    # pts: (B, N, C), idx: (B, S, K) -> (B, S, K, C)
    return jax.vmap(lambda p, i: p[i])(pts, idx)


def setup_inputs(seed: int = 0) -> dict:
    key = jax.random.key(seed)
    k1, k2 = jax.random.split(key)
    xyz = jax.random.uniform(k1, (8, 4096, 3), dtype=jnp.float32)
    points = jax.random.normal(k2, (8, 4096, 128), dtype=jnp.float32)
    return {"xyz": xyz, "points": points}


def reference(xyz, points):
    fps_idx = farthest_point_sample(NPOINT, xyz)
    new_xyz = gather_point(xyz, fps_idx)  # (B, npoint, 3)
    idx, _ = query_ball_point(RADIUS, NSAMPLE, xyz, new_xyz)  # (B, npoint, nsample)
    grouped_xyz = group_point(xyz, idx)  # (B, npoint, nsample, 3)
    grouped_xyz = grouped_xyz - new_xyz[:, :, None, :]
    grouped_points = group_point(points, idx)  # (B, npoint, nsample, 128)
    new_points = jnp.concatenate([grouped_xyz, grouped_points], axis=-1)  # use_xyz=True
    return new_xyz, new_points

if __name__ == "__main__":
    import jax
    _d = setup_inputs()
    print(jax.jit(kernel)(*tuple(_d.values())))

</pallas_src>

<mosaic_0001>
module attributes {stable_mosaic.version = 14 : i64} {
  func.func @_fps_body(%arg0: memref<8x4096xf32, #tpu.memory_space<vmem>>, %arg1: memref<8x4096xf32, #tpu.memory_space<vmem>>, %arg2: memref<8x4096xf32, #tpu.memory_space<vmem>>, %arg3: memref<1024x8xi32, #tpu.memory_space<vmem>>, %arg4: memref<1024x8xf32, #tpu.memory_space<vmem>>, %arg5: memref<1024x8xf32, #tpu.memory_space<vmem>>, %arg6: memref<1024x8xf32, #tpu.memory_space<vmem>>, %arg7: memref<8x4096xf32, #tpu.memory_space<vmem>>) attributes {dimension_semantics = [], scalar_prefetch = 0 : i64, scratch_operands = 1 : i64, tpu.core_type = #tpu.core_type<tc>} {
    %iota3A = tpu.iota {dimensions = array<i32: 1>} : vector<8x4096xi32>
    %get3A = arith.constant 0 : index
    %get3A_0 = arith.constant 0 : index
    %get3A_1 = vector.load %arg0[%get3A, %get3A_0] : memref<8x4096xf32, #tpu.memory_space<vmem>>, vector<8x4096xf32>
    %get3A_2 = arith.constant 0 : index
    %get3A_3 = arith.constant 0 : index
    %get3A_4 = vector.load %arg1[%get3A_2, %get3A_3] : memref<8x4096xf32, #tpu.memory_space<vmem>>, vector<8x4096xf32>
    %get3A_5 = arith.constant 0 : index
    %get3A_6 = arith.constant 0 : index
    %get3A_7 = vector.load %arg2[%get3A_5, %get3A_6] : memref<8x4096xf32, #tpu.memory_space<vmem>>, vector<8x4096xf32>
    %broadcast_in_dim3A = arith.constant 1.000000e+10 : f32
    %broadcast_in_dim3A_8 = vector.broadcast %broadcast_in_dim3A : f32 to vector<8x4096xf32>
    %swap3A = arith.constant 0 : index
    %swap3A_9 = arith.constant 0 : index
    %swap3A_10 = vector.load %arg7[%swap3A, %swap3A_9] : memref<8x4096xf32, #tpu.memory_space<vmem>>, vector<8x4096xf32>
    tpu.vector_store %arg7[%swap3A, %swap3A_9], %broadcast_in_dim3A_8 {strides = array<i32>} : memref<8x4096xf32, #tpu.memory_space<vmem>>, vector<8x4096xf32>,
    %broadcast_in_dim3A_11 = arith.constant 0 : i32
    %broadcast_in_dim3A_12 = vector.broadcast %broadcast_in_dim3A_11 : i32 to vector<8x1xi32>
    %scan3A = arith.constant 0 : i32
    %scan3A_13 = arith.constant 1024 : i32
    %scan3A_14 = arith.addi %scan3A, %scan3A_13 : i32
    %scan3A_15 = arith.constant 1 : i32
    %scan3A_16 = scf.for %scan3A_18 = %scan3A to %scan3A_14 step %scan3A_15 iter_args(%scan3A_19 = %broadcast_in_dim3A_12) -> (vector<8x1xi32>)  : i32 {
      %eq3A = vector.broadcast %scan3A_19 : vector<8x1xi32> to vector<8x4096xi32>
      %eq3A_20 = arith.cmpi eq, %iota3A, %eq3A : vector<8x4096xi32>
      %jit3A = arith.constant 0.000000e+00 : f32
      %broadcast_in_dim3A_21 = vector.broadcast %jit3A : f32 to vector<8x4096xf32>
      %select_n3A = arith.select %eq3A_20, %get3A_1, %broadcast_in_dim3A_21 : vector<8x4096xi1>, vector<8x4096xf32>
      %reduce_sum3A = arith.constant dense<0.000000e+00> : vector<8xf32>
      %reduce_sum3A_22 = vector.multi_reduction <add>, %select_n3A, %reduce_sum3A [1] : vector<8x4096xf32> to vector<8xf32>
      %broadcast_in_dim3A_23 = vector.shape_cast %reduce_sum3A_22 : vector<8xf32> to vector<8x1xf32>
      %jit3A_24 = arith.constant 0.000000e+00 : f32
      %broadcast_in_dim3A_25 = vector.broadcast %jit3A_24 : f32 to vector<8x4096xf32>
      %select_n3A_26 = arith.select %eq3A_20, %get3A_4, %broadcast_in_dim3A_25 : vector<8x4096xi1>, vector<8x4096xf32>
      %reduce_sum3A_27 = arith.constant dense<0.000000e+00> : vector<8xf32>
      %reduce_sum3A_28 = vector.multi_reduction <add>, %select_n3A_26, %reduce_sum3A_27 [1] : vector<8x4096xf32> to vector<8xf32>
      %broadcast_in_dim3A_29 = vector.shape_cast %reduce_sum3A_28 : vector<8xf32> to vector<8x1xf32>
      %jit3A_30 = arith.constant 0.000000e+00 : f32
      %broadcast_in_dim3A_31 = vector.broadcast %jit3A_30 : f32 to vector<8x4096xf32>
      %select_n3A_32 = arith.select %eq3A_20, %get3A_7, %broadcast_in_dim3A_31 : vector<8x4096xi1>, vector<8x4096xf32>
      %reduce_sum3A_33 = arith.constant dense<0.000000e+00> : vector<8xf32>
      %reduce_sum3A_34 = vector.multi_reduction <add>, %select_n3A_32, %reduce_sum3A_33 [1] : vector<8x4096xf32> to vector<8xf32>
      %broadcast_in_dim3A_35 = vector.shape_cast %reduce_sum3A_34 : vector<8xf32> to vector<8x1xf32>
      %sub3A = vector.broadcast %broadcast_in_dim3A_23 : vector<8x1xf32> to vector<8x4096xf32>
      %sub3A_36 = arith.subf %get3A_1, %sub3A : vector<8x4096xf32>
      %sub3A_37 = vector.broadcast %broadcast_in_dim3A_29 : vector<8x1xf32> to vector<8x4096xf32>
      %sub3A_38 = arith.subf %get3A_4, %sub3A_37 : vector<8x4096xf32>
      %sub3A_39 = vector.broadcast %broadcast_in_dim3A_35 : vector<8x1xf32> to vector<8x4096xf32>
      %sub3A_40 = arith.subf %get3A_7, %sub3A_39 : vector<8x4096xf32>
      %mul3A = arith.mulf %sub3A_36, %sub3A_36 : vector<8x4096xf32>
      %mul3A_41 = arith.mulf %sub3A_40, %sub3A_40 : vector<8x4096xf32>
      %add3A = arith.addf %mul3A, %mul3A_41 : vector<8x4096xf32>
      %mul3A_42 = arith.mulf %sub3A_38, %sub3A_38 : vector<8x4096xf32>
      %add3A_43 = arith.addf %add3A, %mul3A_42 : vector<8x4096xf32>
      %get3A_44 = arith.constant 0 : index
      %get3A_45 = arith.constant 0 : index
      %get3A_46 = vector.load %arg7[%get3A_44, %get3A_45] : memref<8x4096xf32, #tpu.memory_space<vmem>>, vector<8x4096xf32>
      %min3A = arith.minimumf %get3A_46, %add3A_43 : vector<8x4096xf32>
      %swap3A_47 = arith.constant 0 : index
      %swap3A_48 = arith.constant 0 : index
      %swap3A_49 = vector.load %arg7[%swap3A_47, %swap3A_48] : memref<8x4096xf32, #tpu.memory_space<vmem>>, vector<8x4096xf32>
      tpu.vector_store %arg7[%swap3A_47, %swap3A_48], %min3A {strides = array<i32>} : memref<8x4096xf32, #tpu.memory_space<vmem>>, vector<8x4096xf32>,
      %reduce_max3A = arith.constant dense<0xFF800000> : vector<8xf32>
      %reduce_max3A_50 = vector.multi_reduction <maximumf>, %min3A, %reduce_max3A [1] : vector<8x4096xf32> to vector<8xf32>
      %broadcast_in_dim3A_51 = vector.shape_cast %reduce_max3A_50 : vector<8xf32> to vector<8x1xf32>
      %eq3A_52 = vector.broadcast %broadcast_in_dim3A_51 : vector<8x1xf32> to vector<8x4096xf32>
      %eq3A_53 = arith.cmpf oeq, %min3A, %eq3A_52 : vector<8x4096xf32>
      %jit3A_54 = arith.constant 4096 : i32
      %broadcast_in_dim3A_55 = vector.broadcast %jit3A_54 : i32 to vector<8x4096xi32>
      %select_n3A_56 = arith.select %eq3A_53, %iota3A, %broadcast_in_dim3A_55 : vector<8x4096xi1>, vector<8x4096xi32>
      %reduce_min3A = arith.constant dense<2147483647> : vector<8xi32>
      %reduce_min3A_57 = vector.multi_reduction <minsi>, %select_n3A_56, %reduce_min3A [1] : vector<8x4096xi32> to vector<8xi32>
      %squeeze3A = vector.shape_cast %scan3A_19 : vector<8x1xi32> to vector<8xi32>
      %reshape3A = vector.shape_cast %squeeze3A : vector<8xi32> to vector<1x8xi32>
      %swap3A_58 = arith.index_cast %scan3A_18 : i32 to index
      %swap3A_59 = arith.constant 0 : index
      %swap3A_60 = vector.load %arg3[%swap3A_58, %swap3A_59] : memref<1024x8xi32, #tpu.memory_space<vmem>>, vector<1x8xi32>
      tpu.vector_store %arg3[%swap3A_58, %swap3A_59], %reshape3A {strides = array<i32>} : memref<1024x8xi32, #tpu.memory_space<vmem>>, vector<1x8xi32>,
      %squeeze3A_61 = vector.shape_cast %broadcast_in_dim3A_23 : vector<8x1xf32> to vector<8xf32>
      %reshape3A_62 = vector.shape_cast %squeeze3A_61 : vector<8xf32> to vector<1x8xf32>
      %swap3A_63 = arith.index_cast %scan3A_18 : i32 to index
      %swap3A_64 = arith.constant 0 : index
      %swap3A_65 = vector.load %arg4[%swap3A_63, %swap3A_64] : memref<1024x8xf32, #tpu.memory_space<vmem>>, vector<1x8xf32>
      tpu.vector_store %arg4[%swap3A_63, %swap3A_64], %reshape3A_62 {strides = array<i32>} : memref<1024x8xf32, #tpu.memory_space<vmem>>, vector<1x8xf32>,
      %squeeze3A_66 = vector.shape_cast %broadcast_in_dim3A_29 : vector<8x1xf32> to vector<8xf32>
      %reshape3A_67 = vector.shape_cast %squeeze3A_66 : vector<8xf32> to vector<1x8xf32>
      %swap3A_68 = arith.index_cast %scan3A_18 : i32 to index
      %swap3A_69 = arith.constant 0 : index
      %swap3A_70 = vector.load %arg5[%swap3A_68, %swap3A_69] : memref<1024x8xf32, #tpu.memory_space<vmem>>, vector<1x8xf32>
      tpu.vector_store %arg5[%swap3A_68, %swap3A_69], %reshape3A_67 {strides = array<i32>} : memref<1024x8xf32, #tpu.memory_space<vmem>>, vector<1x8xf32>,
      %squeeze3A_71 = vector.shape_cast %broadcast_in_dim3A_35 : vector<8x1xf32> to vector<8xf32>
      %reshape3A_72 = vector.shape_cast %squeeze3A_71 : vector<8xf32> to vector<1x8xf32>
      %swap3A_73 = arith.index_cast %scan3A_18 : i32 to index
      %swap3A_74 = arith.constant 0 : index
      %swap3A_75 = vector.load %arg6[%swap3A_73, %swap3A_74] : memref<1024x8xf32, #tpu.memory_space<vmem>>, vector<1x8xf32>
      tpu.vector_store %arg6[%swap3A_73, %swap3A_74], %reshape3A_72 {strides = array<i32>} : memref<1024x8xf32, #tpu.memory_space<vmem>>, vector<1x8xf32>,
      %broadcast_in_dim3A_76 = vector.shape_cast %reduce_min3A_57 : vector<8xi32> to vector<8x1xi32>
      scf.yield %broadcast_in_dim3A_76 : vector<8x1xi32>
    }
    %scan3A_17 = arith.constant 1024 : i32
    return
  }
}

</mosaic_0001>

<sc_bundles>
// kernel: sparse-core-data-format-call.1.cloned.1.call-start
scs
called_computation.1_lowered:
.L_overlay_start_0:
0x0: {  	s2 =	sld [smem:$0x3FD9]  }
0x1: {  	s3 =	sld [smem:$0x3FFE];
	_ =	sdelay $0x1  }
0x2: {  	s1 =	srdreg.scid  }
0x3: {  	s0 =	sand.u32 $0x1, s1  }
0x4: {  	s15 =	sshll.u32 s0, $0xA;
	s2 =	sadd.s32 s3, s2  }
0x5: {  	s2 =	sadd.s32 s2, s15  }
0x6: {  	[smem:$0x3FC6] =	sst s2  }
0x7: {  	_ = 	snop  }
0x8: {  	s2 =	sld [smem:$0x3FD0];
	_ =	sdelay $0x2  }
0x9: {  	s16 =	simm.s32 $0xA;
	s4 =	simm.s32 $0x10  }
0xa: {  	[smem:s4], [sflag:s16] =	dma.local [hbm:s2], $0x1  }
0xb: {  	_ =	swait.eq [sflag:s16], $0x1  }
0xc: {  	[sflag:s16] =	ssyncset.done $0x0  }
0xd: {  	[sflag:s16] =	ssyncadd.s32 $0xFFFFFFFF  }
0xe: {  	s17 =	sld [smem:$0x11];
	(tm) =	ssettm $0x1  }
0xf: {  	s18 =	sld [smem:$0x3FFB];
	_ =	sdelay $0x3  }
0x10: {  	_ =	strace s18  }
0x11: {  	s3 =	sld [smem:$0x3FFC];
	_ =	sdelay $0x3  }
0x12: {  	_ =	strace s3  }
0x13: {  	s3 =	sld [smem:$0x3FFD];
	_ =	sdelay $0x3  }
0x14: {  	_ =	strace s3  }
0x15: {  	_ =	strace $0x8FFFFFFF  }
0x16: {  	s19 =	sld [smem:$0x3FDB];
	_ =	sdelay $0x1  }
0x17: {  	s20 =	simm.s32 $_scs_section_size  }
0x18: {  	s5 =	simm.s32 $_size__tile_overlayer_lowered;
	s6 =	simm.s32 $_tile_overlayer_lowered  }
0x19: {  	s23 =	simm.s32 $0x1BFF;
	s22 =	sshll.u32 s6, $0x1;
	s3 =	sadd.s32 s20, s19  }
0x1a: {  	s7 =	simm.s32 $0x0;
	s21 =	sshll.u32 s5, $0x1;
	s5 =	sadd.s32 s22, s3  }
0x1b: {  	[timem:s7], [sflag:s23] =	dma.local [hbm:s5], s21  }
0x1c: {  	_ =	swait.ge [sflag:s23], s21  }
0x1d: {  	s4 =	ssub.s32 $0x0, s21;
	[sflag:s23] =	ssyncset.done $0x0  }
0x1e: {  	[sflag:s23] =	ssyncadd.s32 s4;
	_ =	sdelay $0x1  }
0x1f: {  	s24 =	simm.s32 $0x1B8B  }
0x20: {  	_ =	swait.ge [sflag:s24], $0x1  }
0x21: {  	[sflag:s24] =	ssyncset.done $0x0  }
0x22: {  	s26 =	simm.s32 $0x1B8E;
	s25 =	sld [smem:$0x3FFE];
	[sflag:s24] =	ssyncadd.s32 $0xFFFFFFFF  }
0x23: {  	s27 =	simm.s32 $execute0_lowered;
	[smem:$0x3FD2] =	sst s26  }
0x24: {  	s5 =	sshll.u32 s27, $0x1;
	_ =	strace $0x80000046;
	[dreg:$0x1] =	wrdreg $0xFFFFFFFF  }
0x25: {  	s28 =	simm.s32 $_size_execute0_lowered;
	s3 =	sadd.s32 s3, s5;
	[dreg:$0x0] =	wrdreg $0x0  }
0x26: {  	s5 =	sshll.u32 s28, $0x1;
	[dreg:$0x2] =	wrdreg s3  }
0x27: {  	[dreg:$0x3] =	wrdreg s5  }
0x28: {  	[dreg:$0x4] =	wrdreg $0xC0  }
0x29: {  	_ =	task [dreg:s7], $0x5FFFF  }
0x2a: {  	[dreg:$0x1] =	wrdreg $0xFFFFFFFF  }
0x2b: {  	[dreg:$0x0] =	wrdreg $0x60  }
0x2c: {  	[dreg:$0x2] =	wrdreg s17  }
0x2d: {  	[dreg:$0x3] =	wrdreg s25  }
0x2e: {  	[dreg:$0x4] =	wrdreg $0x9  }
0x2f: {  	_ =	task.clear_ibuf [dreg:s7], $0x5FFFF;
	_ =	strace $0x90000046  }
0x30: {  	s29 =	simm.s32 $0x9;
	_ =	strace $0x80000048  }
0x31: {  	_ =	swait.ge [sflag:s29], $0x1  }
0x32: {  	[sflag:s29] =	ssyncadd.s32 $0xFFFFFFFF  }
0x33: {  	_ =	strace $0x90000048  }
0x34: {  	_ =	sfence  }
0x35: {  	s30 =	sld [smem:$0x0];
	_ =	sdelay $0x2  }
0x36: {  	s31 =	sshll.u32 s1, $0xD;
	s1 =	sshrl.u32 s1, $0x2  }
0x37: {  	s3 =	sand.u32 $0x4000, s31;
	s1 =	sadd.s32 s1, s30  }
0x38: {  	s0 =	sor.u32 s3, s0;
	s1 =	sshll.u32 s1, $0x11  }
0x39: {  	s0 =	sor.u32 s1, s0  }
0x3a: {  	s0 =	sadd.s32 $0x8F2B, s0  }
0x3b: {  	[sflag:s0] =	ssyncadd.remote.s32 $0x1  }
0x3c: {  	_ =	sfence.sel $0xFFFF  }
0x3d: {  	[dreg:$0x0] =	wrdreg $0xFFFFFFFF;
	(pc) =	sbr.abs _section_cstart, $3  }
0x3e: {  	[dreg:$0x1] =	wrdreg $0xFFFFFFFF  }
0x3f: {  	_ =	task.clear_ibuf [dreg:s7], $0x2FFFF;
	_ =	strace $0x9FFFFFFF  }
0x40: {  	(tm) =	ssettm $0x7FFFFFFF  }
0x41: {  	_ =	shalt  }
tec
execute0_lowered:
.L_overlay_start_1:
0x0: {  	(tag) =	ssettag $0x1  }
0x1: {  	s0 =	stileid.u32;
	s1 =	srdreg.scid  }
0x2: {  	s4 =	rddreg [dreg:$0x1];
	s7 =	simm.s32 $0x1;
	s31 =	simm.s32 $0x2  }
0x3: {  	s16 =	simm.s32 $0x0;
	s2 =	sshll.u32 s0, $0x4;
	s1 =	sshll.u32 s1, $0x8  }
0x4: {  	s9 =	simm.s32 $0x2000;
	s14 =	simm.s32 $0x0;
	s1 =	sor.u32 s2, s1  }
0x5: {  	s15 =	simm.s32 $0x0;
	s10 =	simm.s32 $0x0;
	s3 =	sand.u32 $0x180, s1  }
0x6: {  	s13 =	simm.s32 $0x0;
	s2 =	rddreg [dreg:$0x0];
	s5 =	ssub.s32 $0x400, s3  }
0x7: {  	s4 =	sadd.s32 $0xC000, s4;
	s1 =	rddreg [dreg:$0x2];
	s6 =	sand.u32 $0x180, s5  }
.Ltmp0:
0x8: {  	_ =	strace $0x80000047;
	p0 =	sne.s32 s6, $0x0;
	(pc) =	sbr.rel .LBB1_1-.Ltmp0, $4  }
0x9: {  	s11 =	smov.u32 s3;
	s8 =	sshrl.u32 s5, $0x9;
	s7 =	simm.s32 @!p0 $0x0  }
0xa: {  	s5 =	sand.u32 $0x7, s0;
	s6 =	simm.s32 $0x1;
	s7 =	sadd.s32 s7, s8  }
0xb: {  	s12 =	smov.u32 s5;
	[sflag:s6] =	ssyncpa.u1 $0x0;
	s7 =	sshll.u32 s7, $0x5  }
0xc: {  	p0 =	por $0x0, $0x0;
	[sflag:s31] =	ssyncpa.u1 $0x0;
	s8 =	sor.u32 $0x1, s7  }
.LBB1_4:
0xd: {  	v5 =	vld [tilespmem:s20+$0xFFFFFFD0];
	[tilespmem:s19+$0x2040 ss:$0x81] =	vst.msk $0xffff, v1  }
0xe: {  	v58 =	vld [tilespmem:s20+$0xFFFFFFE0];
	[tilespmem:s19+$0x2850 ss:$0x81] =	vst.msk $0xffff, v2  }
0xf: {  	s21 =	sshra.s32 s21, $0x2;
	v59 =	vld [tilespmem:s20+$0xFFFFFFF0];
	[tilespmem:s19+$0x3060 ss:$0x81] =	vst.msk $0xffff, v3  }
0x10: {  	v60 =	vld [tilespmem:s20+$0x0];
	[tilespmem:s19+$0x0 ss:$0x81] =	vst.msk $0xffff, v0;
	s18 =	sadd.s32 s21, s18  }
0x11: {  	v61 =	vld [tilespmem:s20+$0x10];
	[tilespmem:s18+$0x3870 ss:$0x81] =	vst.msk $0xffff, v4  }
0x12: {  	v62 =	vld [tilespmem:s20+$0x20];
	s26 =	sshll.u32 s16, $0xA;
	s27 =	sshll.u32 s14, $0x3;
	[tilespmem:s18+$0x810 ss:$0x81] =	vst.msk $0xffff, v5  }
0x13: {  	v63 =	vld [tilespmem:s20+$0xFFFFFFC0];
	s29 =	sshll.u32 s16, $0x7;
	s30 =	sand.u32 $0x78, s14;
	s15 =	sshll.u32 s15, $0x13;
	[tilespmem:s18+$0x1020 ss:$0x81] =	vst.msk $0xffff, v58  }
0x14: {  	s19 =	sand.u32 $0x3FE000, s26;
	s28 =	sand.u32 $0x3FFC00, s27;
	s16 =	sand.u32 $0x380, s29;
	[tilespmem:s18+$0x1830 ss:$0x81] =	vst.msk $0xffff, v59  }
0x15: {  	s31 =	sand.u32 $0x7, s14;
	s19 =	sadd.s32 s28, s19;
	s16 =	sor.u32 s30, s16;
	[tilespmem:s18+$0x2040 ss:$0x81] =	vst.msk $0xffff, v60  }
0x16: {  	s15 =	sadd.s32 s4, s15;
	s19 =	sshrl.u32 s19, $0x3;
	s16 =	sshrl.u32 s16, $0x3;
	[tilespmem:s18+$0x2850 ss:$0x81] =	vst.msk $0xffff, v61  }
0x17: {  	s14 =	sshll.u32 s31, $0x12;
	s19 =	sand.u32 $0x7FF80, s19;
	s15 =	sadd.s32 s16, s15;
	[tilespmem:s18+$0x3060 ss:$0x81] =	vst.msk $0xffff, v62  }
0x18: {  	s14 =	sor.u32 $0x400, s14;
	[tilespmem:s18+$0x0 ss:$0x81] =	vst.msk $0xffff, v63;
	s15 =	sadd.s32 s19, s15  }
0x19: {  	[hbm4b:s15+s14] =	stream.strided.scatter [tilespmem:s17], [sflag:$0x2], $0x4000, s9, s14, $0x20;
	[tilespmem:$0x10100] =	vst v63  }
.LBB1_5:
0x1a: {  	s17 =	sadd.s32 $0x80, s10  }
0x1b: {  	s14 =	sadd.s32 $0x200, s11;
	s18 =	smov.u32 s11;
	p2 =	sgt.s32 s17, $0xFFF  }
0x1c: {  	s18 =	smov.u32 @p2 s14  }
0x1d: {  	s20 =	smov.u32 s12;
	s14 =	sadd.s32 $0x8, s12;
	p3 =	sgt.s32 s18, $0x3FF  }
0x1e: {  	s20 =	smov.u32 @p3 s14  }
0x1f: {  	s17 =	simm.s32 @p2 $0x0;
	p2 =	sgt.s32 s20, $0x7  }
0x20: {  	p1 =	slt.u32 s13, $0x2;
	s20 =	smov.u32 @p2 s5;
	p2 =	sne.s32 s13, s8  }
.Ltmp1:
0x21: {  	s19 =	simm.s32 @!p1 $0x2;
	(pc) =	sbr.rel @!p2 .LBB1_6-.Ltmp1, $4  }
0x22: {  	s16 =	smov.u32 s10;
	s15 =	smov.u32 s12;
	_ =	swait.ge @!p1 [sflag:s19], $0x4000  }
0x23: {  	p0 =	por !p0, !p0;
	[sflag:s19] =	ssyncset.done @!p1 $0x0;
	s10 =	smov.u32 s17  }
0x24: {  	s18 =	smov.u32 @p3 s3;
	s14 =	smov.u32 s11;
	[sflag:s19] =	ssyncadd.s32 @!p1 $0xFFFFC000  }
0x25: {  	s11 =	smov.u32 s18;
	s13 =	sadd.s32 $0x1, s13;
	s12 =	smov.u32 s20  }
.LBB1_1:
0x26: {  	p1 =	sge.u32 s13, s7;
	s31 =	sadd.s32 $0xFFFFFFFF, s13  }
0x27: {  	s17 =	sxor.u32 @!p1 $0xFFFFFFFF, s13;
	s18 =	sand.u32 @!p1 $0x78, s10;
	s19 =	sshll.u32 @!p1 s11, $0xC  }
0x28: {  	s20 =	sshll.u32 @!p1 s11, $0x7;
	s21 =	sshll.u32 @!p1 s10, $0x3;
	s17 =	sshll.u32 @!p1 s17, $0xE  }
0x29: {  	s19 =	sand.u32 @!p1 $0x3F8000, s19;
	s20 =	sand.u32 @!p1 $0x380, s20;
	s17 =	sand.u32 @!p1 $0x4000, s17  }
0x2a: {  	s19 =	sadd.s32 @!p1 s19, s21;
	s21 =	sand.u32 @!p1 $0xC00, s21;
	s18 =	sor.u32 @!p1 s20, s18  }
0x2b: {  	s20 =	sshll.u32 @!p1 s12, $0x13;
	s18 =	sor.u32 @!p1 s21, s18;
	s19 =	sshrl.u32 @!p1 s19, $0x3  }
0x2c: {  	s20 =	sadd.s32 @!p1 s2, s20;
	s21 =	sand.u32 @!p1 $0x7, s10;
	s19 =	sand.u32 @!p1 $0x7FE00, s19  }
0x2d: {  	s18 =	sshrl.u32 @!p1 s18, $0x3;
	s19 =	sadd.s32 @!p1 s19, s20;
	s20 =	sshll.u32 @!p1 s21, $0x12  }
0x2e: {  	s18 =	sadd.s32 @!p1 s18, s19;
	s19 =	sor.u32 @!p1 $0x400, s20;
	s20 =	simm.s32 @!p1 $0x8000  }
0x2f: {  	[tilespmem:s17], [sflag:$0x1] =	stream.strided.gather @!p1 [hbm4b:s18+s19], $0x4000, s20, s19, $0x38;
	[tilespmem:$0x10100] =	vst v63  }
0x30: {  	p1 =	sge.u32 s31, s7  }
.Ltmp2:
0x31: {  	_ = 	snop;
	(pc) =	sbr.rel @p1 .LBB1_5-.Ltmp2, $1  }
0x32: {  	_ =	sdelay $0x3  }
0x33: {  	s17 =	simm.s32 $0x1  }
0x34: {  	_ =	swait.ge [sflag:s6], $0x4000;
	s17 =	simm.s32 @!p0 $0x0  }
0x35: {  	[sflag:s6] =	ssyncset.done $0x0;
	s18 =	sshll.u32 s17, $0xE  }
0x36: {  	[sflag:s6] =	ssyncadd.s32 $0xFFFFC000;
	s20 =	sor.u32 $0x40, s18  }
0x37: {  	s17 =	smul.u32 $0x10200, s17;
	v0 =	vld [tilespmem:s20+$0x30]  }
0x38: {  	v3 =	vld [tilespmem:s20+$0xFFFFFFD0]  }
0x39: {  	s17 =	sshrl.u32 s17, $0x2;
	v4 =	vld [tilespmem:s20+$0xFFFFFFE0]  }
0x3a: {  	v5 =	vld [tilespmem:s20+$0xFFFFFFF0];
	s18 =	sor.u32 $0x8000, s17  }
0x3b: {  	s31 =	sand.u32 $0x1, s13;
	v1 =	vld [tilespmem:s20+$0x0];
	s19 =	sadd.s32 $0x0, s18  }
0x3c: {  	v2 =	vld [tilespmem:s20+$0x10];
	s17 =	smul.u32 $0x10200, s31;
	[tilespmem:s19+$0x3870 ss:$0x81] =	vst.msk $0xffff, v0  }
0x3d: {  	[tilespmem:s19+$0x810 ss:$0x81] =	vst.msk $0xffff, v3;
	v3 =	vld [tilespmem:s20+$0x20]  }
0x3e: {  	s17 =	sshrl.u32 s17, $0x2;
	v0 =	vld [tilespmem:s20+$0xFFFFFFC0];
	[tilespmem:s19+$0x1020 ss:$0x81] =	vst.msk $0xffff, v4;
	s20 =	sadd.s32 $0x80, s20  }
0x3f: {  	s21 =	simm.s32 $0x4;
	s22 =	simm.s32 $0x8;
	s17 =	sor.u32 $0x8000, s17;
	[tilespmem:s19+$0x1830 ss:$0x81] =	vst.msk $0xffff, v5;
	v4 =	vld [tilespmem:s20+$0x30]  }
.LBB1_3:
0x40: {  	p1 =	sne.s32 s22, $0x1FC;
	v5 =	vld [tilespmem:s20+$0xFFFFFFD0];
	[tilespmem:s19+$0x2040 ss:$0x81] =	vst.msk $0xffff, v1  }
0x41: {  	v6 =	vld [tilespmem:s20+$0xFFFFFFE0];
	[tilespmem:s19+$0x2850 ss:$0x81] =	vst.msk $0xffff, v2  }
0x42: {  	s23 =	sshra.s32 s21, $0x2;
	s21 =	smov.u32 s22;
	v7 =	vld [tilespmem:s20+$0xFFFFFFF0];
	[tilespmem:s19+$0x3060 ss:$0x81] =	vst.msk $0xffff, v3  }
.Ltmp3:
0x43: {  	v1 =	vld [tilespmem:s20+$0x0];
	[tilespmem:s19+$0x0 ss:$0x81] =	vst.msk $0xffff, v0;
	s19 =	sadd.s32 s23, s18;
	(pc) =	sbr.rel @p1 .LBB1_3-.Ltmp3, $4  }
0x44: {  	v2 =	vld [tilespmem:s20+$0x10];
	[tilespmem:s19+$0x3870 ss:$0x81] =	vst.msk $0xffff, v4  }
0x45: {  	[tilespmem:s19+$0x810 ss:$0x81] =	vst.msk $0xffff, v5;
	v3 =	vld [tilespmem:s20+$0x20]  }
0x46: {  	v0 =	vld [tilespmem:s20+$0xFFFFFFC0];
	[tilespmem:s19+$0x1020 ss:$0x81] =	vst.msk $0xffff, v6;
	s20 =	sadd.s32 $0x80, s20  }
0x47: {  	s22 =	sadd.s32 $0x4, s22;
	v4 =	vld [tilespmem:s20+$0x30];
	[tilespmem:s19+$0x1830 ss:$0x81] =	vst.msk $0xffff, v7  }
.Ltmp4:
0x48: {  	_ = 	snop;
	(pc) =	sbr.rel .LBB1_4-.Ltmp4, $1  }
0x49: {  	_ =	sdelay $0x3  }
.LBB1_6:
0x4a: {  	_ =	sfence.sel $0x180000  }
0x4b: {  	s2 =	simm.s32 $0x1;
	[bflag:$0x0] =	sbarrier.arrive $0xFFFF  }
0x4c: {  	s31 =	simm.s32 $0x2;
	[sflag:s2] =	ssyncpa.u1 $0x1  }
0x4d: {  	[sflag:s31] =	ssyncpa.u1 $0x1  }
0x4e: {  	p0 =	sne.s32 s0, $0x0;
	_ =	strace $0x90000047  }
0x4f: {  	s0 =	sadd.s32 @!p0 $0x100000, s1;
	[bflag:$0x2] =	sbarrier.arrive $0xFFFF  }
0x50: {  	[sflag:s0] =	ssyncadd.tile.s32 @!p0 $0x1;
	_ =	shalt  }
.Lfunc_end1:
_tile_overlayer_lowered:
.L_overlay_start_2:
0x51: {  	(tag) =	ssettag $0x2  }
0x52: {  	s0 =	rddreg [dreg:$0x0];
	s2 =	stileid.u32  }
0x53: {  	s1 =	rddreg [dreg:$0x1];
	p0 =	sne.s32 s2, $0x0  }
0x54: {  	s3 =	rddreg [dreg:$0x2];
	[bflag:$0x3] =	sbarrier.arrive $0xFFFF;
	s2 =	simm.s32 @!p0 $0x1C01  }
0x55: {  	[timem:s3], [sflag:s2] =	dma.local @!p0 [hbm:s0], s1  }
0x56: {  	s0 =	simm.s32 @!p0 $0x1  }
0x57: {  	_ =	swait.ge @!p0 [sflag:s0], s1  }
0x58: {  	s1 =	ssub.s32 @!p0 $0x0, s1;
	[sflag:s0] =	ssyncset.done @!p0 $0x0  }
0x59: {  	[sflag:s0] =	ssyncadd.s32 @!p0 s1  }
0x5a: {  	[bflag:$0x3] =	sbarrier.arrive $0xFFFF  }
0x5b: {  	_ =	shalt  }

// kernel: sparse-core-data-format-call.cloned.1.call-start
scs
called_computation_lowered:
.L_overlay_start_0:
0x0: {  	s2 =	sld [smem:$0x3FD9]  }
0x1: {  	s3 =	sld [smem:$0x3FFE];
	_ =	sdelay $0x1  }
0x2: {  	s1 =	srdreg.scid  }
0x3: {  	s0 =	sand.u32 $0x1, s1  }
0x4: {  	s15 =	sshll.u32 s0, $0xA;
	s2 =	sadd.s32 s3, s2  }
0x5: {  	s2 =	sadd.s32 s2, s15  }
0x6: {  	[smem:$0x3FC6] =	sst s2  }
0x7: {  	_ = 	snop  }
0x8: {  	s2 =	sld [smem:$0x3FD0];
	_ =	sdelay $0x2  }
0x9: {  	s16 =	simm.s32 $0xA;
	s4 =	simm.s32 $0x10  }
0xa: {  	[smem:s4], [sflag:s16] =	dma.local [hbm:s2], $0x1  }
0xb: {  	_ =	swait.eq [sflag:s16], $0x1  }
0xc: {  	[sflag:s16] =	ssyncset.done $0x0  }
0xd: {  	[sflag:s16] =	ssyncadd.s32 $0xFFFFFFFF  }
0xe: {  	s17 =	sld [smem:$0x11];
	(tm) =	ssettm $0x1  }
0xf: {  	s18 =	sld [smem:$0x3FFB];
	_ =	sdelay $0x3  }
0x10: {  	_ =	strace s18  }
0x11: {  	s3 =	sld [smem:$0x3FFC];
	_ =	sdelay $0x3  }
0x12: {  	_ =	strace s3  }
0x13: {  	s3 =	sld [smem:$0x3FFD];
	_ =	sdelay $0x3  }
0x14: {  	_ =	strace s3  }
0x15: {  	_ =	strace $0x8FFFFFFF  }
0x16: {  	s19 =	sld [smem:$0x3FDB];
	_ =	sdelay $0x1  }
0x17: {  	s20 =	simm.s32 $_scs_section_size  }
0x18: {  	s5 =	simm.s32 $_size__tile_overlayer_lowered;
	s6 =	simm.s32 $_tile_overlayer_lowered  }
0x19: {  	s23 =	simm.s32 $0x1BFF;
	s22 =	sshll.u32 s6, $0x1;
	s3 =	sadd.s32 s20, s19  }
0x1a: {  	s7 =	simm.s32 $0x0;
	s21 =	sshll.u32 s5, $0x1;
	s5 =	sadd.s32 s22, s3  }
0x1b: {  	[timem:s7], [sflag:s23] =	dma.local [hbm:s5], s21  }
0x1c: {  	_ =	swait.ge [sflag:s23], s21  }
0x1d: {  	s4 =	ssub.s32 $0x0, s21;
	[sflag:s23] =	ssyncset.done $0x0  }
0x1e: {  	[sflag:s23] =	ssyncadd.s32 s4;
	_ =	sdelay $0x1  }
0x1f: {  	s24 =	simm.s32 $0x1B8B  }
0x20: {  	_ =	swait.ge [sflag:s24], $0x1  }
0x21: {  	[sflag:s24] =	ssyncset.done $0x0  }
0x22: {  	s26 =	simm.s32 $0x1B8E;
	s25 =	sld [smem:$0x3FFE];
	[sflag:s24] =	ssyncadd.s32 $0xFFFFFFFF  }
0x23: {  	s27 =	simm.s32 $execute0_lowered;
	[smem:$0x3FD2] =	sst s26  }
0x24: {  	s5 =	sshll.u32 s27, $0x1;
	_ =	strace $0x80000049;
	[dreg:$0x1] =	wrdreg $0xFFFFFFFF  }
0x25: {  	s28 =	simm.s32 $_size_execute0_lowered;
	s3 =	sadd.s32 s3, s5;
	[dreg:$0x0] =	wrdreg $0x0  }
0x26: {  	s5 =	sshll.u32 s28, $0x1;
	[dreg:$0x2] =	wrdreg s3  }
0x27: {  	[dreg:$0x3] =	wrdreg s5  }
0x28: {  	[dreg:$0x4] =	wrdreg $0xC0  }
0x29: {  	_ =	task [dreg:s7], $0x5FFFF  }
0x2a: {  	[dreg:$0x1] =	wrdreg $0xFFFFFFFF  }
0x2b: {  	[dreg:$0x0] =	wrdreg $0x60  }
0x2c: {  	[dreg:$0x2] =	wrdreg s17  }
0x2d: {  	[dreg:$0x3] =	wrdreg s25  }
0x2e: {  	[dreg:$0x4] =	wrdreg $0x9  }
0x2f: {  	_ =	task.clear_ibuf [dreg:s7], $0x5FFFF;
	_ =	strace $0x90000049  }
0x30: {  	s29 =	simm.s32 $0x9;
	_ =	strace $0x8000004B  }
0x31: {  	_ =	swait.ge [sflag:s29], $0x1  }
0x32: {  	[sflag:s29] =	ssyncadd.s32 $0xFFFFFFFF  }
0x33: {  	_ =	strace $0x9000004B  }
0x34: {  	_ =	sfence  }
0x35: {  	s30 =	sld [smem:$0x0];
	_ =	sdelay $0x2  }
0x36: {  	s31 =	sshll.u32 s1, $0xD;
	s1 =	sshrl.u32 s1, $0x2  }
0x37: {  	s3 =	sand.u32 $0x4000, s31;
	s1 =	sadd.s32 s1, s30  }
0x38: {  	s0 =	sor.u32 s3, s0;
	s1 =	sshll.u32 s1, $0x11  }
0x39: {  	s0 =	sor.u32 s1, s0  }
0x3a: {  	s0 =	sadd.s32 $0x8F2B, s0  }
0x3b: {  	[sflag:s0] =	ssyncadd.remote.s32 $0x1  }
0x3c: {  	_ =	sfence.sel $0xFFFF  }
0x3d: {  	[dreg:$0x0] =	wrdreg $0xFFFFFFFF;
	(pc) =	sbr.abs _section_cstart, $3  }
0x3e: {  	[dreg:$0x1] =	wrdreg $0xFFFFFFFF  }
0x3f: {  	_ =	task.clear_ibuf [dreg:s7], $0x2FFFF;
	_ =	strace $0x9FFFFFFF  }
0x40: {  	(tm) =	ssettm $0x7FFFFFFF  }
0x41: {  	_ =	shalt  }
tec
execute0_lowered:
.L_overlay_start_1:
0x0: {  	(tag) =	ssettag $0x1  }
0x1: {  	s0 =	stileid.u32;
	s1 =	srdreg.scid  }
0x2: {  	s4 =	rddreg [dreg:$0x1];
	s7 =	simm.s32 $0x1;
	s31 =	simm.s32 $0x2  }
0x3: {  	s16 =	simm.s32 $0x0;
	s2 =	sshll.u32 s0, $0x4;
	s1 =	sshll.u32 s1, $0x8  }
0x4: {  	s9 =	simm.s32 $0x8000;
	s14 =	simm.s32 $0x0;
	s1 =	sor.u32 s2, s1  }
0x5: {  	s15 =	simm.s32 $0x0;
	s10 =	simm.s32 $0x0;
	s3 =	sand.u32 $0x180, s1  }
0x6: {  	s13 =	simm.s32 $0x0;
	s2 =	rddreg [dreg:$0x0];
	s5 =	ssub.s32 $0x400, s3  }
0x7: {  	s4 =	sadd.s32 $0x14000, s4;
	s1 =	rddreg [dreg:$0x2];
	s6 =	sand.u32 $0x180, s5  }
.Ltmp0:
0x8: {  	_ =	strace $0x8000004A;
	p0 =	sne.s32 s6, $0x0;
	(pc) =	sbr.rel .LBB1_1-.Ltmp0, $4  }
0x9: {  	s11 =	smov.u32 s3;
	s8 =	sshrl.u32 s5, $0x9;
	s7 =	simm.s32 @!p0 $0x0  }
0xa: {  	s5 =	sand.u32 $0x7, s0;
	s6 =	simm.s32 $0x1;
	s7 =	sadd.s32 s7, s8  }
0xb: {  	s12 =	smov.u32 s5;
	[sflag:s6] =	ssyncpa.u1 $0x0;
	s7 =	sshll.u32 s7, $0x5  }
0xc: {  	p0 =	por $0x0, $0x0;
	[sflag:s31] =	ssyncpa.u1 $0x0;
	s8 =	sor.u32 $0x1, s7  }
.LBB1_4:
0xd: {  	v5 =	vld [tilespmem:s20+$0xFFFFFFD0];
	[tilespmem:s19+$0x2040 ss:$0x81] =	vst.msk $0xffff, v1  }
0xe: {  	v58 =	vld [tilespmem:s20+$0xFFFFFFE0];
	[tilespmem:s19+$0x2850 ss:$0x81] =	vst.msk $0xffff, v2  }
0xf: {  	s21 =	sshra.s32 s21, $0x2;
	v59 =	vld [tilespmem:s20+$0xFFFFFFF0];
	[tilespmem:s19+$0x3060 ss:$0x81] =	vst.msk $0xffff, v3  }
0x10: {  	v60 =	vld [tilespmem:s20+$0x0];
	[tilespmem:s19+$0x0 ss:$0x81] =	vst.msk $0xffff, v0;
	s18 =	sadd.s32 s21, s18  }
0x11: {  	v61 =	vld [tilespmem:s20+$0x10];
	[tilespmem:s18+$0x3870 ss:$0x81] =	vst.msk $0xffff, v4  }
0x12: {  	v62 =	vld [tilespmem:s20+$0x20];
	s26 =	sshll.u32 s16, $0xA;
	s27 =	sshll.u32 s14, $0x3;
	[tilespmem:s18+$0x810 ss:$0x81] =	vst.msk $0xffff, v5  }
0x13: {  	v63 =	vld [tilespmem:s20+$0xFFFFFFC0];
	s29 =	sshll.u32 s16, $0x7;
	s30 =	sand.u32 $0x78, s14;
	s15 =	sshll.u32 s15, $0x13;
	[tilespmem:s18+$0x1020 ss:$0x81] =	vst.msk $0xffff, v58  }
0x14: {  	s19 =	sand.u32 $0x6000, s26;
	s28 =	sand.u32 $0x7C00, s27;
	s16 =	sand.u32 $0x380, s29;
	[tilespmem:s18+$0x1830 ss:$0x81] =	vst.msk $0xffff, v59  }
0x15: {  	s31 =	sand.u32 $0x7, s14;
	s19 =	sadd.s32 s28, s19;
	s16 =	sor.u32 s30, s16;
	[tilespmem:s18+$0x2040 ss:$0x81] =	vst.msk $0xffff, v60  }
0x16: {  	s15 =	sadd.s32 s4, s15;
	s19 =	sshrl.u32 s19, $0x3;
	s16 =	sshrl.u32 s16, $0x3;
	[tilespmem:s18+$0x2850 ss:$0x81] =	vst.msk $0xffff, v61  }
0x17: {  	s14 =	sshll.u32 s31, $0x12;
	s19 =	sand.u32 $0xF80, s19;
	s15 =	sadd.s32 s16, s15;
	[tilespmem:s18+$0x3060 ss:$0x81] =	vst.msk $0xffff, v62  }
0x18: {  	s14 =	sor.u32 $0x80, s14;
	[tilespmem:s18+$0x0 ss:$0x81] =	vst.msk $0xffff, v63;
	s15 =	sadd.s32 s19, s15  }
0x19: {  	[hbm4b:s15+s14] =	stream.strided.scatter [tilespmem:s17], [sflag:$0x2], $0x4000, s9, s14, $0x20;
	[tilespmem:$0x10100] =	vst v63  }
.LBB1_5:
0x1a: {  	s17 =	sadd.s32 $0x1, s10  }
0x1b: {  	s14 =	sadd.s32 $0x200, s11;
	s18 =	smov.u32 s11;
	p2 =	sgt.s32 s17, $0x1F  }
0x1c: {  	s18 =	smov.u32 @p2 s14  }
0x1d: {  	s20 =	smov.u32 s12;
	s14 =	sadd.s32 $0x8, s12;
	p3 =	sgt.s32 s18, $0x3FF  }
0x1e: {  	s20 =	smov.u32 @p3 s14  }
0x1f: {  	s17 =	simm.s32 @p2 $0x0;
	p2 =	sgt.s32 s20, $0x7  }
0x20: {  	p1 =	slt.u32 s13, $0x2;
	s20 =	smov.u32 @p2 s5;
	p2 =	sne.s32 s13, s8  }
.Ltmp1:
0x21: {  	s19 =	simm.s32 @!p1 $0x2;
	(pc) =	sbr.rel @!p2 .LBB1_6-.Ltmp1, $4  }
0x22: {  	s16 =	smov.u32 s10;
	s15 =	smov.u32 s12;
	_ =	swait.ge @!p1 [sflag:s19], $0x4000  }
0x23: {  	p0 =	por !p0, !p0;
	[sflag:s19] =	ssyncset.done @!p1 $0x0;
	s10 =	smov.u32 s17  }
0x24: {  	s18 =	smov.u32 @p3 s3;
	s14 =	smov.u32 s11;
	[sflag:s19] =	ssyncadd.s32 @!p1 $0xFFFFC000  }
0x25: {  	s11 =	smov.u32 s18;
	s13 =	sadd.s32 $0x1, s13;
	s12 =	smov.u32 s20  }
.LBB1_1:
0x26: {  	p1 =	sge.u32 s13, s7;
	s31 =	sadd.s32 $0xFFFFFFFF, s13  }
0x27: {  	s17 =	sxor.u32 @!p1 $0xFFFFFFFF, s13;
	s18 =	sshll.u32 @!p1 s12, $0x13;
	s19 =	sshll.u32 @!p1 s11, $0x9  }
0x28: {  	s20 =	sshll.u32 @!p1 s10, $0x4;
	s17 =	sshll.u32 @!p1 s17, $0xE;
	s18 =	sadd.s32 @!p1 s2, s18  }
0x29: {  	s20 =	sand.u32 @!p1 $0x1F0, s20;
	s17 =	sand.u32 @!p1 $0x4000, s17;
	s18 =	sadd.s32 @!p1 s19, s18  }
0x2a: {  	s19 =	simm.s32 @!p1 $0x80;
	s18 =	sadd.s32 @!p1 s20, s18;
	s20 =	simm.s32 @!p1 $0x1000  }
0x2b: {  	[tilespmem:s17], [sflag:$0x1] =	stream.strided.gather @!p1 [hbm4b:s18+s19], $0x4000, s20, s19, $0x38;
	[tilespmem:$0x10100] =	vst v63  }
0x2c: {  	p1 =	sge.u32 s31, s7  }
.Ltmp2:
0x2d: {  	_ = 	snop;
	(pc) =	sbr.rel @p1 .LBB1_5-.Ltmp2, $1  }
0x2e: {  	_ =	sdelay $0x3  }
0x2f: {  	s17 =	simm.s32 $0x1  }
0x30: {  	_ =	swait.ge [sflag:s6], $0x4000;
	s17 =	simm.s32 @!p0 $0x0  }
0x31: {  	[sflag:s6] =	ssyncset.done $0x0;
	s18 =	sshll.u32 s17, $0xE  }
0x32: {  	[sflag:s6] =	ssyncadd.s32 $0xFFFFC000;
	s20 =	sor.u32 $0x40, s18  }
0x33: {  	s17 =	smul.u32 $0x10200, s17;
	v0 =	vld [tilespmem:s20+$0x30]  }
0x34: {  	v3 =	vld [tilespmem:s20+$0xFFFFFFD0]  }
0x35: {  	s17 =	sshrl.u32 s17, $0x2;
	v4 =	vld [tilespmem:s20+$0xFFFFFFE0]  }
0x36: {  	v5 =	vld [tilespmem:s20+$0xFFFFFFF0];
	s18 =	sor.u32 $0x8000, s17  }
0x37: {  	s31 =	sand.u32 $0x1, s13;
	v1 =	vld [tilespmem:s20+$0x0];
	s19 =	sadd.s32 $0x0, s18  }
0x38: {  	v2 =	vld [tilespmem:s20+$0x10];
	s17 =	smul.u32 $0x10200, s31;
	[tilespmem:s19+$0x3870 ss:$0x81] =	vst.msk $0xffff, v0  }
0x39: {  	[tilespmem:s19+$0x810 ss:$0x81] =	vst.msk $0xffff, v3;
	v3 =	vld [tilespmem:s20+$0x20]  }
0x3a: {  	s17 =	sshrl.u32 s17, $0x2;
	v0 =	vld [tilespmem:s20+$0xFFFFFFC0];
	[tilespmem:s19+$0x1020 ss:$0x81] =	vst.msk $0xffff, v4;
	s20 =	sadd.s32 $0x80, s20  }
0x3b: {  	s21 =	simm.s32 $0x4;
	s22 =	simm.s32 $0x8;
	s17 =	sor.u32 $0x8000, s17;
	[tilespmem:s19+$0x1830 ss:$0x81] =	vst.msk $0xffff, v5;
	v4 =	vld [tilespmem:s20+$0x30]  }
.LBB1_3:
0x3c: {  	p1 =	sne.s32 s22, $0x1FC;
	v5 =	vld [tilespmem:s20+$0xFFFFFFD0];
	[tilespmem:s19+$0x2040 ss:$0x81] =	vst.msk $0xffff, v1  }
0x3d: {  	v6 =	vld [tilespmem:s20+$0xFFFFFFE0];
	[tilespmem:s19+$0x2850 ss:$0x81] =	vst.msk $0xffff, v2  }
0x3e: {  	s23 =	sshra.s32 s21, $0x2;
	s21 =	smov.u32 s22;
	v7 =	vld [tilespmem:s20+$0xFFFFFFF0];
	[tilespmem:s19+$0x3060 ss:$0x81] =	vst.msk $0xffff, v3  }
.Ltmp3:
0x3f: {  	v1 =	vld [tilespmem:s20+$0x0];
	[tilespmem:s19+$0x0 ss:$0x81] =	vst.msk $0xffff, v0;
	s19 =	sadd.s32 s23, s18;
	(pc) =	sbr.rel @p1 .LBB1_3-.Ltmp3, $4  }
0x40: {  	v2 =	vld [tilespmem:s20+$0x10];
	[tilespmem:s19+$0x3870 ss:$0x81] =	vst.msk $0xffff, v4  }
0x41: {  	[tilespmem:s19+$0x810 ss:$0x81] =	vst.msk $0xffff, v5;
	v3 =	vld [tilespmem:s20+$0x20]  }
0x42: {  	v0 =	vld [tilespmem:s20+$0xFFFFFFC0];
	[tilespmem:s19+$0x1020 ss:$0x81] =	vst.msk $0xffff, v6;
	s20 =	sadd.s32 $0x80, s20  }
0x43: {  	s22 =	sadd.s32 $0x4, s22;
	v4 =	vld [tilespmem:s20+$0x30];
	[tilespmem:s19+$0x1830 ss:$0x81] =	vst.msk $0xffff, v7  }
.Ltmp4:
0x44: {  	_ = 	snop;
	(pc) =	sbr.rel .LBB1_4-.Ltmp4, $1  }
0x45: {  	_ =	sdelay $0x3  }
.LBB1_6:
0x46: {  	_ =	sfence.sel $0x180000  }
0x47: {  	s2 =	simm.s32 $0x1;
	[bflag:$0x0] =	sbarrier.arrive $0xFFFF  }
0x48: {  	s31 =	simm.s32 $0x2;
	[sflag:s2] =	ssyncpa.u1 $0x1  }
0x49: {  	[sflag:s31] =	ssyncpa.u1 $0x1  }
0x4a: {  	p0 =	sne.s32 s0, $0x0;
	_ =	strace $0x9000004A  }
0x4b: {  	s0 =	sadd.s32 @!p0 $0x100000, s1;
	[bflag:$0x2] =	sbarrier.arrive $0xFFFF  }
0x4c: {  	[sflag:s0] =	ssyncadd.tile.s32 @!p0 $0x1;
	_ =	shalt  }
.Lfunc_end1:
_tile_overlayer_lowered:
.L_overlay_start_2:
0x4d: {  	(tag) =	ssettag $0x2  }
0x4e: {  	s0 =	rddreg [dreg:$0x0];
	s2 =	stileid.u32  }
0x4f: {  	s1 =	rddreg [dreg:$0x1];
	p0 =	sne.s32 s2, $0x0  }
0x50: {  	s3 =	rddreg [dreg:$0x2];
	[bflag:$0x3] =	sbarrier.arrive $0xFFFF;
	s2 =	simm.s32 @!p0 $0x1C01  }
0x51: {  	[timem:s3], [sflag:s2] =	dma.local @!p0 [hbm:s0], s1  }
0x52: {  	s0 =	simm.s32 @!p0 $0x1  }
0x53: {  	_ =	swait.ge @!p0 [sflag:s0], s1  }
0x54: {  	s1 =	ssub.s32 @!p0 $0x0, s1;
	[sflag:s0] =	ssyncset.done @!p0 $0x0  }
0x55: {  	[sflag:s0] =	ssyncadd.s32 @!p0 s1  }
0x56: {  	[bflag:$0x3] =	sbarrier.arrive $0xFFFF  }
0x57: {  	_ =	shalt  }

</sc_bundles>
